<compile_context>
chip_gen: v7x
topology: tpu7x:2x2x1
jax: 0.10.2.dev20260603
libtpu: 0.0.44.dev20260713+nightly
codegen_flags: <defaults>
</compile_context>

<pallas_src>
import functools
import jax
import jax.numpy as jnp
from jax import lax
from jax.experimental import pallas as pl
from jax.experimental.pallas import tpu as pltpu
from jax.experimental.pallas import tpu_sc as plsc


def _make_sc_kernel(B, S, D, R):
    info = plsc.get_sparse_core_info()
    NC, NS = info.num_cores, info.num_subcores
    NW = NC * NS
    P = S // NW
    per_b = P // R
    n_chunks = B * per_b
    assert n_chunks % 2 == 0
    mesh = plsc.VectorSubcoreMesh(core_axis_name="c", subcore_axis_name="s")

    @functools.partial(
        pl.kernel,
        mesh=mesh,
        out_type=jax.ShapeDtypeStruct((B * S, D), jnp.float32),
        scratch_types=[
            pltpu.VMEM((P, D), jnp.float32),
            pltpu.VMEM((R, D), jnp.float32),
            pltpu.VMEM((R, D), jnp.float32),
            pltpu.SemaphoreType.DMA,
            pltpu.SemaphoreType.DMA,
            pltpu.SemaphoreType.DMA,
            pltpu.SemaphoreType.DMA,
        ],
    )
    def k(x_hbm, pos_hbm, out_hbm, posbuf, b0, b1, si0, si1, so0, so1):
        wid = lax.axis_index("s") * NC + lax.axis_index("c")
        pos0 = wid * P
        pltpu.sync_copy(pos_hbm.at[pl.ds(pos0, P)], posbuf)

        def row0(i):
            return (i // per_b) * S + pos0 + (i % per_b) * R

        def start_in(i, buf, sem):
            pltpu.async_copy(x_hbm.at[pl.ds(row0(i), R)], buf, sem)

        def wait_in(buf, sem):
            pltpu.make_async_copy(x_hbm.at[pl.ds(pos0, R)], buf, sem).wait()

        def start_out(i, buf, sem):
            pltpu.async_copy(buf, out_hbm.at[pl.ds(row0(i), R)], sem)

        def wait_out(buf, sem):
            pltpu.make_async_copy(x_hbm.at[pl.ds(pos0, R)], buf, sem).wait()

        def accum(buf, i):
            c = i % per_b

            def body(r, carry):
                for j in range(D // 16):
                    sl = pl.ds(j * 16, 16)
                    plsc.addupdate(buf.at[r, sl], posbuf[c * R + r, sl])
                return carry

            pass

        start_in(0, b0, si0)

        def outer(t, carry):
            i = 2 * t
            wait_in(b0, si0)

            @pl.when(t > 0)
            def _():
                wait_out(b1, so1)

            start_in(i + 1, b1, si1)
            accum(b0, i)
            start_out(i, b0, so0)

            wait_in(b1, si1)

            @pl.when(t + 1 < n_chunks // 2)
            def _():
                wait_out(b0, so0)
                start_in(i + 2, b0, si0)

            accum(b1, i + 1)
            start_out(i + 1, b1, so1)
            return carry

        lax.fori_loop(0, n_chunks // 2, outer, 0)
        wait_out(b0, so0)
        wait_out(b1, so1)

    return k


def kernel(x, pos_table):
    B, S, D = x.shape
    x2 = x.reshape(B * S, D)
    out = _make_sc_kernel(B, S, D, 16)(x2, pos_table)
    return out.reshape(B, S, D)

# --- scband reference (transcript-rebuilt; emitter-appended) ---
"""Pipeline reference for scband-positional-encoding-23407571763817 (READ-ONLY COPY).

The authoritative reference and input builder live on the scoring server;
editing this copy changes nothing except your own understanding.
"""

import jax, jax.numpy as jnp
import numpy as np


def setup_inputs(seed: int = 0) -> dict:
    key = jax.random.key(seed)
    k1, k2 = jax.random.split(key)
    x = jax.random.normal(k1, (4, 2048, 1024), dtype=jnp.float32)
    # nn.Embedding(max_len=8192, embedding_size=1024) weight, default init N(0,1)
    pos_table = jax.random.normal(k2, (8192, 1024), dtype=jnp.float32)
    return {"x": x, "pos_table": pos_table}


def reference(x, pos_table):
    # seq_pos = torch.arange(x.size(1)); pos_embedding = self.pos_embed(seq_pos); x = x + pos_embedding
    seq_len = x.shape[1]
    seq_pos = jnp.arange(seq_len)
    pos_embedding = jnp.take(pos_table, seq_pos, axis=0)  # [S, d]
    return x + pos_embedding  # broadcast over batch, [B, S, d]

if __name__ == "__main__":
    import jax
    _d = setup_inputs()
    print(jax.jit(kernel)(*tuple(_d.values())))

</pallas_src>

<mosaic_0001>
#map = affine_map<(d0, d1) -> (0, 0)>
module attributes {stable_mosaic.version = 14 : i64} {
  func.func @k(%arg0: i32, %arg1: i32, %arg2: memref<8192x1024xf32, #tpu.memory_space<hbm>>, %arg3: memref<8192x1024xf32, #tpu.memory_space<hbm>>, %arg4: memref<8192x1024xf32, #tpu.memory_space<hbm>>, %arg5: memref<64x1024xf32, #tpu.memory_space<vmem>>, %arg6: memref<16x1024xf32, #tpu.memory_space<vmem>>, %arg7: memref<16x1024xf32, #tpu.memory_space<vmem>>, %arg8: memref<!tpu.dma_semaphore, #tpu.memory_space<semaphore_mem>>, %arg9: memref<!tpu.dma_semaphore, #tpu.memory_space<semaphore_mem>>, %arg10: memref<!tpu.dma_semaphore, #tpu.memory_space<semaphore_mem>>, %arg11: memref<!tpu.dma_semaphore, #tpu.memory_space<semaphore_mem>>) attributes {dimension_semantics = [#tpu.dimension_semantics<core_parallel>, #tpu.dimension_semantics<subcore_parallel>], iteration_bounds = array<i64: 2, 16>, scalar_prefetch = 0 : i64, scratch_operands = 7 : i64, tpu.core_type = #tpu.core_type<sc_vector_subcore>, window_params = [{transform_indices = #map}, {transform_indices = #map}, {transform_indices = #map}]} {
    %mul3A = arith.constant 2 : i32
    %mul3A_0 = arith.muli %arg1, %mul3A : i32
    %add3A = arith.addi %mul3A_0, %arg0 : i32
    %mul3A_1 = arith.constant 64 : i32
    %mul3A_2 = arith.muli %add3A, %mul3A_1 : i32
    "tpu.region"() ({
      %run_scoped3A = tpu.sem_alloc : memref<!tpu.dma_semaphore, #tpu.memory_space<semaphore_mem>>
      %dma_start3A_22 = arith.constant 0 : i32
      %dma_start3A_23 = tpu.memref_slice %arg3[%mul3A_2, %dma_start3A_22] : memref<8192x1024xf32, #tpu.memory_space<hbm>> -> memref<64x1024xf32, #tpu.memory_space<hbm>>
      %dma_start3A_24 = arith.constant 0 : i32
      %dma_start3A_25 = tpu.memref_slice %arg3[%mul3A_2, %dma_start3A_24] : memref<8192x1024xf32, #tpu.memory_space<hbm>> -> memref<64x1024xf32, #tpu.memory_space<hbm>>
      tpu.enqueue_dma source(%dma_start3A_25 : memref<64x1024xf32, #tpu.memory_space<hbm>>) target(%arg5 : memref<64x1024xf32, #tpu.memory_space<vmem>>) target_semaphore(%run_scoped3A : memref<!tpu.dma_semaphore, #tpu.memory_space<semaphore_mem>>)
      %dma_wait3A_26 = arith.constant 0 : i32
      %dma_wait3A_27 = tpu.memref_slice %arg3[%mul3A_2, %dma_wait3A_26] : memref<8192x1024xf32, #tpu.memory_space<hbm>> -> memref<64x1024xf32, #tpu.memory_space<hbm>>
      %dma_wait3A_28 = arith.constant 0 : i32
      %dma_wait3A_29 = tpu.memref_slice %arg3[%mul3A_2, %dma_wait3A_28] : memref<8192x1024xf32, #tpu.memory_space<hbm>> -> memref<64x1024xf32, #tpu.memory_space<hbm>>
      tpu.wait_dma2 semaphore(%run_scoped3A : memref<!tpu.dma_semaphore, #tpu.memory_space<semaphore_mem>>) src(%dma_wait3A_29 : memref<64x1024xf32, #tpu.memory_space<hbm>>) dst(%arg5 : memref<64x1024xf32, #tpu.memory_space<vmem>>)
      tpu.yield
    }) : () -> ()
    %add3A_3 = arith.constant 0 : i32
    %add3A_4 = arith.addi %add3A_3, %mul3A_2 : i32
    %add3A_5 = arith.constant 0 : i32
    %add3A_6 = arith.addi %add3A_4, %add3A_5 : i32
    %dma_start3A = arith.constant 0 : i32
    %dma_start3A_7 = tpu.memref_slice %arg2[%add3A_6, %dma_start3A] : memref<8192x1024xf32, #tpu.memory_space<hbm>> -> memref<16x1024xf32, #tpu.memory_space<hbm>>
    %dma_start3A_8 = arith.constant 0 : i32
    %dma_start3A_9 = tpu.memref_slice %arg2[%add3A_6, %dma_start3A_8] : memref<8192x1024xf32, #tpu.memory_space<hbm>> -> memref<16x1024xf32, #tpu.memory_space<hbm>>
    tpu.enqueue_dma source(%dma_start3A_9 : memref<16x1024xf32, #tpu.memory_space<hbm>>) target(%arg6 : memref<16x1024xf32, #tpu.memory_space<vmem>>) target_semaphore(%arg8 : memref<!tpu.dma_semaphore, #tpu.memory_space<semaphore_mem>>)
    %scan3A = arith.constant 0 : i32
    %scan3A_10 = arith.constant 0 : i32
    %scan3A_11 = arith.constant 8 : i32
    %scan3A_12 = arith.addi %scan3A_10, %scan3A_11 : i32
    %scan3A_13 = arith.constant 1 : i32
    scf.for %scan3A_22 = %scan3A_10 to %scan3A_12 step %scan3A_13  : i32 {
      %mul3A_23 = arith.constant 2 : i32
      %mul3A_24 = arith.muli %mul3A_23, %scan3A_22 : i32
      %dma_wait3A_25 = arith.constant 0 : i32
      %dma_wait3A_26 = tpu.memref_slice %arg2[%mul3A_2, %dma_wait3A_25] : memref<8192x1024xf32, #tpu.memory_space<hbm>> -> memref<16x1024xf32, #tpu.memory_space<hbm>>
      %dma_wait3A_27 = arith.constant 0 : i32
      %dma_wait3A_28 = tpu.memref_slice %arg2[%mul3A_2, %dma_wait3A_27] : memref<8192x1024xf32, #tpu.memory_space<hbm>> -> memref<16x1024xf32, #tpu.memory_space<hbm>>
      tpu.wait_dma2 semaphore(%arg8 : memref<!tpu.dma_semaphore, #tpu.memory_space<semaphore_mem>>) src(%dma_wait3A_28 : memref<16x1024xf32, #tpu.memory_space<hbm>>) dst(%arg6 : memref<16x1024xf32, #tpu.memory_space<vmem>>)
      %gt3A = arith.constant 0 : i32
      %gt3A_29 = arith.cmpi sgt, %scan3A_22, %gt3A : i32
      %convert_element_type3A = arith.extui %gt3A_29 : i1 to i32
      %cond3A = arith.constant 0 : i32
      %cond3A_30 = arith.cmpi ne, %convert_element_type3A, %cond3A : i32
      scf.if %cond3A_30 {
        %dma_wait3A_220 = arith.constant 0 : i32
        %dma_wait3A_221 = tpu.memref_slice %arg2[%mul3A_2, %dma_wait3A_220] : memref<8192x1024xf32, #tpu.memory_space<hbm>> -> memref<16x1024xf32, #tpu.memory_space<hbm>>
        %dma_wait3A_222 = arith.constant 0 : i32
        %dma_wait3A_223 = tpu.memref_slice %arg2[%mul3A_2, %dma_wait3A_222] : memref<8192x1024xf32, #tpu.memory_space<hbm>> -> memref<16x1024xf32, #tpu.memory_space<hbm>>
        tpu.wait_dma2 semaphore(%arg11 : memref<!tpu.dma_semaphore, #tpu.memory_space<semaphore_mem>>) src(%dma_wait3A_223 : memref<16x1024xf32, #tpu.memory_space<hbm>>) dst(%arg7 : memref<16x1024xf32, #tpu.memory_space<vmem>>)
      } else {
      }
      %add3A_31 = arith.constant 1 : i32
      %add3A_32 = arith.addi %mul3A_24, %add3A_31 : i32
      %jit3A = arith.constant 4 : i32
      %div3A = arith.divsi %add3A_32, %jit3A : i32
      %sign3A = arith.constant 0 : i32
      %sign3A_33 = arith.cmpi sgt, %add3A_32, %sign3A : i32
      %sign3A_34 = arith.extui %sign3A_33 : i1 to i32
      %sign3A_35 = arith.constant 0 : i32
      %sign3A_36 = arith.cmpi slt, %add3A_32, %sign3A_35 : i32
      %sign3A_37 = arith.extui %sign3A_36 : i1 to i32
      %sign3A_38 = arith.subi %sign3A_34, %sign3A_37 : i32
      %sign3A_39 = arith.constant 0 : i32
      %sign3A_40 = arith.cmpi sgt, %jit3A, %sign3A_39 : i32
      %sign3A_41 = arith.extui %sign3A_40 : i1 to i32
      %sign3A_42 = arith.constant 0 : i32
      %sign3A_43 = arith.cmpi slt, %jit3A, %sign3A_42 : i32
      %sign3A_44 = arith.extui %sign3A_43 : i1 to i32
      %sign3A_45 = arith.subi %sign3A_41, %sign3A_44 : i32
      %ne3A = arith.cmpi ne, %sign3A_38, %sign3A_45 : i32
      %rem3A = arith.remsi %add3A_32, %jit3A : i32
      %ne3A_46 = arith.constant 0 : i32
      %ne3A_47 = arith.cmpi ne, %rem3A, %ne3A_46 : i32
      %and3A = arith.andi %ne3A, %ne3A_47 : i1
      %sub3A = arith.constant 1 : i32
      %sub3A_48 = arith.subi %div3A, %sub3A : i32
      %select_n3A = arith.select %and3A, %sub3A_48, %div3A : i32
      %mul3A_49 = arith.constant 2048 : i32
      %mul3A_50 = arith.muli %select_n3A, %mul3A_49 : i32
      %add3A_51 = arith.addi %mul3A_50, %mul3A_2 : i32
      %jit3A_52 = arith.constant 4 : i32
      %eq3A = arith.constant 0 : i32
      %eq3A_53 = arith.cmpi eq, %jit3A_52, %eq3A : i32
      %jit3A_54 = arith.constant 1 : i32
      %select_n3A_55 = arith.select %eq3A_53, %jit3A_54, %jit3A_52 : i32
      %rem3A_56 = arith.remsi %add3A_32, %select_n3A_55 : i32
      %ne3A_57 = arith.constant 0 : i32
      %ne3A_58 = arith.cmpi ne, %rem3A_56, %ne3A_57 : i32
      %lt3A = arith.constant 0 : i32
      %lt3A_59 = arith.cmpi slt, %rem3A_56, %lt3A : i32
      %lt3A_60 = arith.constant 0 : i32
      %lt3A_61 = arith.cmpi slt, %select_n3A_55, %lt3A_60 : i32
      %ne3A_62 = arith.xori %lt3A_59, %lt3A_61 : i1
      %and3A_63 = arith.andi %ne3A_62, %ne3A_58 : i1
      %add3A_64 = arith.addi %rem3A_56, %select_n3A_55 : i32
      %select_n3A_65 = arith.select %and3A_63, %add3A_64, %rem3A_56 : i32
      %mul3A_66 = arith.constant 16 : i32
      %mul3A_67 = arith.muli %select_n3A_65, %mul3A_66 : i32
      %add3A_68 = arith.addi %add3A_51, %mul3A_67 : i32
      %dma_start3A_69 = arith.constant 0 : i32
      %dma_start3A_70 = tpu.memref_slice %arg2[%add3A_68, %dma_start3A_69] : memref<8192x1024xf32, #tpu.memory_space<hbm>> -> memref<16x1024xf32, #tpu.memory_space<hbm>>
      %dma_start3A_71 = arith.constant 0 : i32
      %dma_start3A_72 = tpu.memref_slice %arg2[%add3A_68, %dma_start3A_71] : memref<8192x1024xf32, #tpu.memory_space<hbm>> -> memref<16x1024xf32, #tpu.memory_space<hbm>>
      tpu.enqueue_dma source(%dma_start3A_72 : memref<16x1024xf32, #tpu.memory_space<hbm>>) target(%arg7 : memref<16x1024xf32, #tpu.memory_space<vmem>>) target_semaphore(%arg9 : memref<!tpu.dma_semaphore, #tpu.memory_space<semaphore_mem>>)
      %jit3A_73 = arith.constant 4 : i32
      %eq3A_74 = arith.constant 0 : i32
      %eq3A_75 = arith.cmpi eq, %jit3A_73, %eq3A_74 : i32
      %jit3A_76 = arith.constant 1 : i32
      %select_n3A_77 = arith.select %eq3A_75, %jit3A_76, %jit3A_73 : i32
      %rem3A_78 = arith.remsi %mul3A_24, %select_n3A_77 : i32
      %ne3A_79 = arith.constant 0 : i32
      %ne3A_80 = arith.cmpi ne, %rem3A_78, %ne3A_79 : i32
      %lt3A_81 = arith.constant 0 : i32
      %lt3A_82 = arith.cmpi slt, %rem3A_78, %lt3A_81 : i32
      %lt3A_83 = arith.constant 0 : i32
      %lt3A_84 = arith.cmpi slt, %select_n3A_77, %lt3A_83 : i32
      %ne3A_85 = arith.xori %lt3A_82, %lt3A_84 : i1
      %and3A_86 = arith.andi %ne3A_85, %ne3A_80 : i1
      %add3A_87 = arith.addi %rem3A_78, %select_n3A_77 : i32
      %select_n3A_88 = arith.select %and3A_86, %add3A_87, %rem3A_78 : i32
      %jit3A_89 = arith.constant 4 : i32
      %div3A_90 = arith.divsi %mul3A_24, %jit3A_89 : i32
      %sign3A_91 = arith.constant 0 : i32
      %sign3A_92 = arith.cmpi sgt, %mul3A_24, %sign3A_91 : i32
      %sign3A_93 = arith.extui %sign3A_92 : i1 to i32
      %sign3A_94 = arith.constant 0 : i32
      %sign3A_95 = arith.cmpi slt, %mul3A_24, %sign3A_94 : i32
      %sign3A_96 = arith.extui %sign3A_95 : i1 to i32
      %sign3A_97 = arith.subi %sign3A_93, %sign3A_96 : i32
      %sign3A_98 = arith.constant 0 : i32
      %sign3A_99 = arith.cmpi sgt, %jit3A_89, %sign3A_98 : i32
      %sign3A_100 = arith.extui %sign3A_99 : i1 to i32
      %sign3A_101 = arith.constant 0 : i32
      %sign3A_102 = arith.cmpi slt, %jit3A_89, %sign3A_101 : i32
      %sign3A_103 = arith.extui %sign3A_102 : i1 to i32
      %sign3A_104 = arith.subi %sign3A_100, %sign3A_103 : i32
      %ne3A_105 = arith.cmpi ne, %sign3A_97, %sign3A_104 : i32
      %rem3A_106 = arith.remsi %mul3A_24, %jit3A_89 : i32
      %ne3A_107 = arith.constant 0 : i32
      %ne3A_108 = arith.cmpi ne, %rem3A_106, %ne3A_107 : i32
      %and3A_109 = arith.andi %ne3A_105, %ne3A_108 : i1
      %sub3A_110 = arith.constant 1 : i32
      %sub3A_111 = arith.subi %div3A_90, %sub3A_110 : i32
      %select_n3A_112 = arith.select %and3A_109, %sub3A_111, %div3A_90 : i32
      %mul3A_113 = arith.constant 2048 : i32
      %mul3A_114 = arith.muli %select_n3A_112, %mul3A_113 : i32
      %add3A_115 = arith.addi %mul3A_114, %mul3A_2 : i32
      %jit3A_116 = arith.constant 4 : i32
      %eq3A_117 = arith.constant 0 : i32
      %eq3A_118 = arith.cmpi eq, %jit3A_116, %eq3A_117 : i32
      %jit3A_119 = arith.constant 1 : i32
      %select_n3A_120 = arith.select %eq3A_118, %jit3A_119, %jit3A_116 : i32
      %rem3A_121 = arith.remsi %mul3A_24, %select_n3A_120 : i32
      %ne3A_122 = arith.constant 0 : i32
      %ne3A_123 = arith.cmpi ne, %rem3A_121, %ne3A_122 : i32
      %lt3A_124 = arith.constant 0 : i32
      %lt3A_125 = arith.cmpi slt, %rem3A_121, %lt3A_124 : i32
      %lt3A_126 = arith.constant 0 : i32
      %lt3A_127 = arith.cmpi slt, %select_n3A_120, %lt3A_126 : i32
      %ne3A_128 = arith.xori %lt3A_125, %lt3A_127 : i1
      %and3A_129 = arith.andi %ne3A_128, %ne3A_123 : i1
      %add3A_130 = arith.addi %rem3A_121, %select_n3A_120 : i32
      %select_n3A_131 = arith.select %and3A_129, %add3A_130, %rem3A_121 : i32
      %mul3A_132 = arith.constant 16 : i32
      %mul3A_133 = arith.muli %select_n3A_131, %mul3A_132 : i32
      %add3A_134 = arith.addi %add3A_115, %mul3A_133 : i32
      %dma_start3A_135 = arith.constant 0 : i32
      %dma_start3A_136 = tpu.memref_slice %arg4[%add3A_134, %dma_start3A_135] : memref<8192x1024xf32, #tpu.memory_space<hbm>> -> memref<16x1024xf32, #tpu.memory_space<hbm>>
      %dma_start3A_137 = arith.constant 0 : i32
      %dma_start3A_138 = tpu.memref_slice %arg4[%add3A_134, %dma_start3A_137] : memref<8192x1024xf32, #tpu.memory_space<hbm>> -> memref<16x1024xf32, #tpu.memory_space<hbm>>
      tpu.enqueue_dma source(%arg6 : memref<16x1024xf32, #tpu.memory_space<vmem>>) target(%dma_start3A_138 : memref<16x1024xf32, #tpu.memory_space<hbm>>) target_semaphore(%arg10 : memref<!tpu.dma_semaphore, #tpu.memory_space<semaphore_mem>>)
      %dma_wait3A_139 = arith.constant 0 : i32
      %dma_wait3A_140 = tpu.memref_slice %arg2[%mul3A_2, %dma_wait3A_139] : memref<8192x1024xf32, #tpu.memory_space<hbm>> -> memref<16x1024xf32, #tpu.memory_space<hbm>>
      %dma_wait3A_141 = arith.constant 0 : i32
      %dma_wait3A_142 = tpu.memref_slice %arg2[%mul3A_2, %dma_wait3A_141] : memref<8192x1024xf32, #tpu.memory_space<hbm>> -> memref<16x1024xf32, #tpu.memory_space<hbm>>
      tpu.wait_dma2 semaphore(%arg9 : memref<!tpu.dma_semaphore, #tpu.memory_space<semaphore_mem>>) src(%dma_wait3A_142 : memref<16x1024xf32, #tpu.memory_space<hbm>>) dst(%arg7 : memref<16x1024xf32, #tpu.memory_space<vmem>>)
      %add3A_143 = arith.constant 1 : i32
      %add3A_144 = arith.addi %scan3A_22, %add3A_143 : i32
      %lt3A_145 = arith.constant 8 : i32
      %lt3A_146 = arith.cmpi slt, %add3A_144, %lt3A_145 : i32
      %convert_element_type3A_147 = arith.extui %lt3A_146 : i1 to i32
      %cond3A_148 = arith.constant 0 : i32
      %cond3A_149 = arith.cmpi ne, %convert_element_type3A_147, %cond3A_148 : i32
      scf.if %cond3A_149 {
        %dma_wait3A_220 = arith.constant 0 : i32
        %dma_wait3A_221 = tpu.memref_slice %arg2[%mul3A_2, %dma_wait3A_220] : memref<8192x1024xf32, #tpu.memory_space<hbm>> -> memref<16x1024xf32, #tpu.memory_space<hbm>>
        %dma_wait3A_222 = arith.constant 0 : i32
        %dma_wait3A_223 = tpu.memref_slice %arg2[%mul3A_2, %dma_wait3A_222] : memref<8192x1024xf32, #tpu.memory_space<hbm>> -> memref<16x1024xf32, #tpu.memory_space<hbm>>
        tpu.wait_dma2 semaphore(%arg10 : memref<!tpu.dma_semaphore, #tpu.memory_space<semaphore_mem>>) src(%dma_wait3A_223 : memref<16x1024xf32, #tpu.memory_space<hbm>>) dst(%arg6 : memref<16x1024xf32, #tpu.memory_space<vmem>>)
        %add3A_224 = arith.constant 2 : i32
        %add3A_225 = arith.addi %mul3A_24, %add3A_224 : i32
        %jit3A_226 = arith.constant 4 : i32
        %div3A_227 = arith.divsi %add3A_225, %jit3A_226 : i32
        %sign3A_228 = arith.constant 0 : i32
        %sign3A_229 = arith.cmpi sgt, %add3A_225, %sign3A_228 : i32
        %sign3A_230 = arith.extui %sign3A_229 : i1 to i32
        %sign3A_231 = arith.constant 0 : i32
        %sign3A_232 = arith.cmpi slt, %add3A_225, %sign3A_231 : i32
        %sign3A_233 = arith.extui %sign3A_232 : i1 to i32
        %sign3A_234 = arith.subi %sign3A_230, %sign3A_233 : i32
        %sign3A_235 = arith.constant 0 : i32
        %sign3A_236 = arith.cmpi sgt, %jit3A_226, %sign3A_235 : i32
        %sign3A_237 = arith.extui %sign3A_236 : i1 to i32
        %sign3A_238 = arith.constant 0 : i32
        %sign3A_239 = arith.cmpi slt, %jit3A_226, %sign3A_238 : i32
        %sign3A_240 = arith.extui %sign3A_239 : i1 to i32
        %sign3A_241 = arith.subi %sign3A_237, %sign3A_240 : i32
        %ne3A_242 = arith.cmpi ne, %sign3A_234, %sign3A_241 : i32
        %rem3A_243 = arith.remsi %add3A_225, %jit3A_226 : i32
        %ne3A_244 = arith.constant 0 : i32
        %ne3A_245 = arith.cmpi ne, %rem3A_243, %ne3A_244 : i32
        %and3A_246 = arith.andi %ne3A_242, %ne3A_245 : i1
        %sub3A_247 = arith.constant 1 : i32
        %sub3A_248 = arith.subi %div3A_227, %sub3A_247 : i32
        %select_n3A_249 = arith.select %and3A_246, %sub3A_248, %div3A_227 : i32
        %mul3A_250 = arith.constant 2048 : i32
        %mul3A_251 = arith.muli %select_n3A_249, %mul3A_250 : i32
        %add3A_252 = arith.addi %mul3A_251, %mul3A_2 : i32
        %jit3A_253 = arith.constant 4 : i32
        %eq3A_254 = arith.constant 0 : i32
        %eq3A_255 = arith.cmpi eq, %jit3A_253, %eq3A_254 : i32
        %jit3A_256 = arith.constant 1 : i32
        %select_n3A_257 = arith.select %eq3A_255, %jit3A_256, %jit3A_253 : i32
        %rem3A_258 = arith.remsi %add3A_225, %select_n3A_257 : i32
        %ne3A_259 = arith.constant 0 : i32
        %ne3A_260 = arith.cmpi ne, %rem3A_258, %ne3A_259 : i32
        %lt3A_261 = arith.constant 0 : i32
        %lt3A_262 = arith.cmpi slt, %rem3A_258, %lt3A_261 : i32
        %lt3A_263 = arith.constant 0 : i32
        %lt3A_264 = arith.cmpi slt, %select_n3A_257, %lt3A_263 : i32
        %ne3A_265 = arith.xori %lt3A_262, %lt3A_264 : i1
        %and3A_266 = arith.andi %ne3A_265, %ne3A_260 : i1
        %add3A_267 = arith.addi %rem3A_258, %select_n3A_257 : i32
        %select_n3A_268 = arith.select %and3A_266, %add3A_267, %rem3A_258 : i32
        %mul3A_269 = arith.constant 16 : i32
        %mul3A_270 = arith.muli %select_n3A_268, %mul3A_269 : i32
        %add3A_271 = arith.addi %add3A_252, %mul3A_270 : i32
        %dma_start3A_272 = arith.constant 0 : i32
        %dma_start3A_273 = tpu.memref_slice %arg2[%add3A_271, %dma_start3A_272] : memref<8192x1024xf32, #tpu.memory_space<hbm>> -> memref<16x1024xf32, #tpu.memory_space<hbm>>
        %dma_start3A_274 = arith.constant 0 : i32
        %dma_start3A_275 = tpu.memref_slice %arg2[%add3A_271, %dma_start3A_274] : memref<8192x1024xf32, #tpu.memory_space<hbm>> -> memref<16x1024xf32, #tpu.memory_space<hbm>>
        tpu.enqueue_dma source(%dma_start3A_275 : memref<16x1024xf32, #tpu.memory_space<hbm>>) target(%arg6 : memref<16x1024xf32, #tpu.memory_space<vmem>>) target_semaphore(%arg8 : memref<!tpu.dma_semaphore, #tpu.memory_space<semaphore_mem>>)
      } else {
      }
      %add3A_150 = arith.constant 1 : i32
      %add3A_151 = arith.addi %mul3A_24, %add3A_150 : i32
      %jit3A_152 = arith.constant 4 : i32
      %eq3A_153 = arith.constant 0 : i32
      %eq3A_154 = arith.cmpi eq, %jit3A_152, %eq3A_153 : i32
      %jit3A_155 = arith.constant 1 : i32
      %select_n3A_156 = arith.select %eq3A_154, %jit3A_155, %jit3A_152 : i32
      %rem3A_157 = arith.remsi %add3A_151, %select_n3A_156 : i32
      %ne3A_158 = arith.constant 0 : i32
      %ne3A_159 = arith.cmpi ne, %rem3A_157, %ne3A_158 : i32
      %lt3A_160 = arith.constant 0 : i32
      %lt3A_161 = arith.cmpi slt, %rem3A_157, %lt3A_160 : i32
      %lt3A_162 = arith.constant 0 : i32
      %lt3A_163 = arith.cmpi slt, %select_n3A_156, %lt3A_162 : i32
      %ne3A_164 = arith.xori %lt3A_161, %lt3A_163 : i1
      %and3A_165 = arith.andi %ne3A_164, %ne3A_159 : i1
      %add3A_166 = arith.addi %rem3A_157, %select_n3A_156 : i32
      %select_n3A_167 = arith.select %and3A_165, %add3A_166, %rem3A_157 : i32
      %add3A_168 = arith.constant 1 : i32
      %add3A_169 = arith.addi %mul3A_24, %add3A_168 : i32
      %jit3A_170 = arith.constant 4 : i32
      %div3A_171 = arith.divsi %add3A_169, %jit3A_170 : i32
      %sign3A_172 = arith.constant 0 : i32
      %sign3A_173 = arith.cmpi sgt, %add3A_169, %sign3A_172 : i32
      %sign3A_174 = arith.extui %sign3A_173 : i1 to i32
      %sign3A_175 = arith.constant 0 : i32
      %sign3A_176 = arith.cmpi slt, %add3A_169, %sign3A_175 : i32
      %sign3A_177 = arith.extui %sign3A_176 : i1 to i32
      %sign3A_178 = arith.subi %sign3A_174, %sign3A_177 : i32
      %sign3A_179 = arith.constant 0 : i32
      %sign3A_180 = arith.cmpi sgt, %jit3A_170, %sign3A_179 : i32
      %sign3A_181 = arith.extui %sign3A_180 : i1 to i32
      %sign3A_182 = arith.constant 0 : i32
      %sign3A_183 = arith.cmpi slt, %jit3A_170, %sign3A_182 : i32
      %sign3A_184 = arith.extui %sign3A_183 : i1 to i32
      %sign3A_185 = arith.subi %sign3A_181, %sign3A_184 : i32
      %ne3A_186 = arith.cmpi ne, %sign3A_178, %sign3A_185 : i32
      %rem3A_187 = arith.remsi %add3A_169, %jit3A_170 : i32
      %ne3A_188 = arith.constant 0 : i32
      %ne3A_189 = arith.cmpi ne, %rem3A_187, %ne3A_188 : i32
      %and3A_190 = arith.andi %ne3A_186, %ne3A_189 : i1
      %sub3A_191 = arith.constant 1 : i32
      %sub3A_192 = arith.subi %div3A_171, %sub3A_191 : i32
      %select_n3A_193 = arith.select %and3A_190, %sub3A_192, %div3A_171 : i32
      %mul3A_194 = arith.constant 2048 : i32
      %mul3A_195 = arith.muli %select_n3A_193, %mul3A_194 : i32
      %add3A_196 = arith.addi %mul3A_195, %mul3A_2 : i32
      %jit3A_197 = arith.constant 4 : i32
      %eq3A_198 = arith.constant 0 : i32
      %eq3A_199 = arith.cmpi eq, %jit3A_197, %eq3A_198 : i32
      %jit3A_200 = arith.constant 1 : i32
      %select_n3A_201 = arith.select %eq3A_199, %jit3A_200, %jit3A_197 : i32
      %rem3A_202 = arith.remsi %add3A_169, %select_n3A_201 : i32
      %ne3A_203 = arith.constant 0 : i32
      %ne3A_204 = arith.cmpi ne, %rem3A_202, %ne3A_203 : i32
      %lt3A_205 = arith.constant 0 : i32
      %lt3A_206 = arith.cmpi slt, %rem3A_202, %lt3A_205 : i32
      %lt3A_207 = arith.constant 0 : i32
      %lt3A_208 = arith.cmpi slt, %select_n3A_201, %lt3A_207 : i32
      %ne3A_209 = arith.xori %lt3A_206, %lt3A_208 : i1
      %and3A_210 = arith.andi %ne3A_209, %ne3A_204 : i1
      %add3A_211 = arith.addi %rem3A_202, %select_n3A_201 : i32
      %select_n3A_212 = arith.select %and3A_210, %add3A_211, %rem3A_202 : i32
      %mul3A_213 = arith.constant 16 : i32
      %mul3A_214 = arith.muli %select_n3A_212, %mul3A_213 : i32
      %add3A_215 = arith.addi %add3A_196, %mul3A_214 : i32
      %dma_start3A_216 = arith.constant 0 : i32
      %dma_start3A_217 = tpu.memref_slice %arg4[%add3A_215, %dma_start3A_216] : memref<8192x1024xf32, #tpu.memory_space<hbm>> -> memref<16x1024xf32, #tpu.memory_space<hbm>>
      %dma_start3A_218 = arith.constant 0 : i32
      %dma_start3A_219 = tpu.memref_slice %arg4[%add3A_215, %dma_start3A_218] : memref<8192x1024xf32, #tpu.memory_space<hbm>> -> memref<16x1024xf32, #tpu.memory_space<hbm>>
      tpu.enqueue_dma source(%arg7 : memref<16x1024xf32, #tpu.memory_space<vmem>>) target(%dma_start3A_219 : memref<16x1024xf32, #tpu.memory_space<hbm>>) target_semaphore(%arg11 : memref<!tpu.dma_semaphore, #tpu.memory_space<semaphore_mem>>)
    }
    %scan3A_14 = arith.constant 8 : i32
    %dma_wait3A = arith.constant 0 : i32
    %dma_wait3A_15 = tpu.memref_slice %arg2[%mul3A_2, %dma_wait3A] : memref<8192x1024xf32, #tpu.memory_space<hbm>> -> memref<16x1024xf32, #tpu.memory_space<hbm>>
    %dma_wait3A_16 = arith.constant 0 : i32
    %dma_wait3A_17 = tpu.memref_slice %arg2[%mul3A_2, %dma_wait3A_16] : memref<8192x1024xf32, #tpu.memory_space<hbm>> -> memref<16x1024xf32, #tpu.memory_space<hbm>>
    tpu.wait_dma2 semaphore(%arg10 : memref<!tpu.dma_semaphore, #tpu.memory_space<semaphore_mem>>) src(%dma_wait3A_17 : memref<16x1024xf32, #tpu.memory_space<hbm>>) dst(%arg6 : memref<16x1024xf32, #tpu.memory_space<vmem>>)
    %dma_wait3A_18 = arith.constant 0 : i32
    %dma_wait3A_19 = tpu.memref_slice %arg2[%mul3A_2, %dma_wait3A_18] : memref<8192x1024xf32, #tpu.memory_space<hbm>> -> memref<16x1024xf32, #tpu.memory_space<hbm>>
    %dma_wait3A_20 = arith.constant 0 : i32
    %dma_wait3A_21 = tpu.memref_slice %arg2[%mul3A_2, %dma_wait3A_20] : memref<8192x1024xf32, #tpu.memory_space<hbm>> -> memref<16x1024xf32, #tpu.memory_space<hbm>>
    tpu.wait_dma2 semaphore(%arg11 : memref<!tpu.dma_semaphore, #tpu.memory_space<semaphore_mem>>) src(%dma_wait3A_21 : memref<16x1024xf32, #tpu.memory_space<hbm>>) dst(%arg7 : memref<16x1024xf32, #tpu.memory_space<vmem>>)
    return
  }
}

</mosaic_0001>

<sc_bundles>
// kernel: kernel.3.cloned.1.call-start
scs
__scs_entry_jumppad:
0x0: {  	(pc) =	sbr.rel $0x88, $3  }
0x1: {  	(tag) =	ssettag $0x0;
	lr =	simm.s32 $0x1  }
0x2: {  	[smem:$0x3F9F] =	sst lr;
	_ =	strace $0xD0000000  }
0x3: {  	_ = 	snop  }
0x4: {  	_ = 	snop  }
0x5: {  	_ = 	snop  }
0x6: {  	_ = 	snop  }
0x7: {  	_ = 	snop  }
__scs_overlays_trampoline_lowered:
0x8: {  	[smem:$0x3FAE] =	sst s0  }
0x9: {  	[smem:$0x3FAF] =	sst s1  }
0xa: {  	[smem:$0x3FB0] =	sst s2  }
0xb: {  	[smem:$0x3FB1] =	sst s3  }
0xc: {  	[smem:$0x3FB2] =	sst s4  }
0xd: {  	[smem:$0x3FB3] =	sst s5  }
0xe: {  	[smem:$0x3FB4] =	sst s6  }
0xf: {  	[smem:$0x3FB5] =	sst s7  }
0x10: {  	[smem:$0x3FB6] =	sst s8  }
0x11: {  	[smem:$0x3FB7] =	sst s9;
	s0 =	simm.s32 @!p0 $0x0  }
0x12: {  	s1 =	sld [smem:$0x3F9D];
	s0 =	simm.s32 @p0 $0x1  }
0x13: {  	[smem:$0x3FB8] =	sst s0;
	s0 =	simm.s32 @!p1 $0x0  }
0x14: {  	s2 =	sld [smem:$0x3F9C];
	s0 =	simm.s32 @p1 $0x1  }
0x15: {  	[smem:$0x3FB9] =	sst s0;
	s0 =	simm.s32 @!p2 $0x0  }
0x16: {  	s3 =	sld [smem:$0x3FDB];
	s0 =	simm.s32 @p2 $0x1  }
0x17: {  	s4 =	simm.s32 $0x1BF5;
	[smem:$0x3FBB] =	sst s0  }
0x18: {  	s0 =	sld [smem:$0x3F9E];
	_ =	swait.ge [sflag:s4], $0x0  }
0x19: {  	s7 =	sld [smem:$0x3F9F]  }
0x1a: {  	s8 =	sadd.s32 $0xFFFFE003, lr  }
0x1b: {  	s9 =	sadd.s32 $0xFFFFFEF7, lr;
	s5 =	simm.s32 $0xFFFFFFFF;
	p2 =	slt.u32 s8, $0xFFFFF086  }
0x1c: {  	p1 =	slt.u32 s9, $0xF7A;
	s5 =	simm.s32 @!p2 $0x0  }
0x1d: {  	s5 =	simm.s32 @p1 $0x1;
	p0 =	seq.s32 s7, s2  }
0x1e: {  	s7 =	smul.u32 @!p0 $0xF7A, s2;
	p2 =	seq.s32 @!p0 s5, $0x0  }
0x1f: {  	s9 =	smul.u32 $0xF7A, s1;
	s8 =	simm.s32 @!p0 $0x1BF5;
	p2 =	por !p2, p0  }
0x20: {  	[sflag:s8] =	ssyncset.s32 @!p0 $0xFFFFF086;
	s6 =	sadd.s32 @!p0 s3, s7;
	s7 =	simm.s32 @!p0 $0x108  }
0x21: {  	s3 =	sadd.s32 s3, s9;
	s6 =	sadd.s32 @!p0 $0x88, s6;
	s7 =	simm.s32 @p2 $0x1082  }
0x22: {  	[simem:s7], [sflag:s8] =	dma.local @!p0 [hbm:s6], $0xF7A  }
0x23: {  	s9 =	sor.u32 $0xD0000000, s2;
	s6 =	simm.s32 $0x108;
	_ =	swait.ge @!p0 [sflag:s8], $0x0  }
0x24: {  	s3 =	sadd.s32 $0x88, s3;
	s6 =	simm.s32 @!p1 $0x1082;
	[sflag:s4] =	ssyncset.s32 $0xFFFFF086  }
0x25: {  	[simem:s6], [sflag:s4] =	dma.local [hbm:s3], $0xF7A  }
0x26: {  	[smem:$0x3F9F] =	sst s1;
	(tag) =	ssettag s2;
	_ =	strace s9  }
0x27: {  	s1 =	sld [smem:$0x3FAF]  }
0x28: {  	s2 =	sld [smem:$0x3FB0]  }
0x29: {  	s4 =	sld [smem:$0x3FB2]  }
0x2a: {  	p0 =	seq.s32 s5, $0x0;
	s5 =	sld [smem:$0x3FB3]  }
0x2b: {  	s6 =	sld [smem:$0x3FB4]  }
0x2c: {  	s7 =	sld [smem:$0x3FB5]  }
0x2d: {  	s3 =	simm.s32 $0x108;
	s8 =	sld [smem:$0x3FB6]  }
0x2e: {  	s3 =	simm.s32 @!p0 $0x1082;
	s9 =	sld [smem:$0x3FB7]  }
0x2f: {  	lr =	sadd.s32 s0, s3;
	s0 =	sld [smem:$0x3FAE]  }
0x30: {  	s3 =	sld [smem:$0x3FB1]  }
0x31: {  	[smem:$0x3FBA] =	sst s10  }
0x32: {  	s10 =	sld [smem:$0x3FB8];
	_ =	sdelay $0x3  }
0x33: {  	p0 =	seq.s32 s10, $0x1;
	s10 =	sld [smem:$0x3FBA];
	_ =	sdelay $0x3  }
0x34: {  	[smem:$0x3FBA] =	sst s10  }
0x35: {  	s10 =	sld [smem:$0x3FB9];
	_ =	sdelay $0x3  }
0x36: {  	p1 =	seq.s32 s10, $0x1;
	s10 =	sld [smem:$0x3FBA];
	_ =	sdelay $0x3  }
0x37: {  	[smem:$0x3FBA] =	sst s10  }
0x38: {  	s10 =	sld [smem:$0x3FBB]  }
0x39: {  	_ = 	snop;
	(pc) =	sbr.ind lr, $3  }
0x3a: {  	_ = 	snop  }
0x3b: {  	_ = 	snop  }
0x3c: {  	p2 =	seq.s32 s10, $0x1;
	s10 =	sld [smem:$0x3FBA]  }
0x3d: {  	_ =	shalt  }
0x3e: {  	_ =	shalt  }
0x3f: {  	_ =	shalt  }
0x40: {  	_ =	shalt  }
0x41: {  	_ =	shalt  }
0x42: {  	_ =	shalt  }
0x43: {  	_ =	shalt  }
0x44: {  	_ =	shalt  }
0x45: {  	_ =	shalt  }
0x46: {  	_ =	shalt  }
0x47: {  	_ =	shalt  }
0x48: {  	_ =	shalt  }
0x49: {  	_ =	shalt  }
0x4a: {  	_ =	shalt  }
0x4b: {  	_ =	shalt  }
0x4c: {  	_ =	shalt  }
0x4d: {  	_ =	shalt  }
0x4e: {  	_ =	shalt  }
0x4f: {  	_ =	shalt  }
0x50: {  	_ =	shalt  }
0x51: {  	_ =	shalt  }
0x52: {  	_ =	shalt  }
0x53: {  	_ =	shalt  }
0x54: {  	_ =	shalt  }
0x55: {  	_ =	shalt  }
0x56: {  	_ =	shalt  }
0x57: {  	_ =	shalt  }
0x58: {  	_ =	shalt  }
0x59: {  	_ =	shalt  }
0x5a: {  	_ =	shalt  }
0x5b: {  	_ =	shalt  }
0x5c: {  	_ =	shalt  }
0x5d: {  	_ =	shalt  }
0x5e: {  	_ =	shalt  }
0x5f: {  	_ =	shalt  }
0x60: {  	_ =	shalt  }
0x61: {  	_ =	shalt  }
0x62: {  	_ =	shalt  }
0x63: {  	_ =	shalt  }
0x64: {  	_ =	shalt  }
0x65: {  	_ =	shalt  }
0x66: {  	_ =	shalt  }
0x67: {  	_ =	shalt  }
0x68: {  	_ =	shalt  }
0x69: {  	_ =	shalt  }
0x6a: {  	_ =	shalt  }
0x6b: {  	_ =	shalt  }
0x6c: {  	_ =	shalt  }
0x6d: {  	_ =	shalt  }
0x6e: {  	_ =	shalt  }
0x6f: {  	_ =	shalt  }
0x70: {  	_ =	shalt  }
0x71: {  	_ =	shalt  }
0x72: {  	_ =	shalt  }
0x73: {  	_ =	shalt  }
0x74: {  	_ =	shalt  }
0x75: {  	_ =	shalt  }
0x76: {  	_ =	shalt  }
0x77: {  	_ =	shalt  }
0x78: {  	_ =	shalt  }
0x79: {  	_ =	shalt  }
0x7a: {  	_ =	shalt  }
0x7b: {  	_ =	shalt  }
0x7c: {  	_ =	shalt  }
0x7d: {  	_ =	shalt  }
0x7e: {  	_ =	shalt  }
0x7f: {  	_ =	shalt  }
0x80: {  	_ =	shalt  }
0x81: {  	_ =	shalt  }
0x82: {  	_ =	shalt  }
0x83: {  	_ =	shalt  }
0x84: {  	_ =	shalt  }
0x85: {  	_ =	shalt  }
0x86: {  	_ =	shalt  }
0x87: {  	_ =	shalt  }
.Lfunc_end0:
.L_simem_size_0:
called_computation_lowered:
.L_overlay_start_0:
0x88: {  	s2 =	sld [smem:$0x3FD9]  }
0x89: {  	s3 =	sld [smem:$0x3FFE];
	_ =	sdelay $0x1  }
0x8a: {  	s1 =	srdreg.scid  }
0x8b: {  	s0 =	sand.u32 $0x1, s1  }
0x8c: {  	s18 =	sshll.u32 s0, $0xA;
	s2 =	sadd.s32 s3, s2  }
0x8d: {  	s2 =	sadd.s32 s2, s18  }
0x8e: {  	[smem:$0x3FC6] =	sst s2  }
0x8f: {  	_ = 	snop  }
0x90: {  	s2 =	sld [smem:$0x3FC9]  }
0x91: {  	s19 =	sld [smem:$0x3FC8]  }
0x92: {  	s4 =	sld [smem:$0x3FD0];
	(tm) =	ssettm $0x1  }
0x93: {  	s5 =	sld [smem:$0x3FFB];
	_ =	sdelay $0x3  }
0x94: {  	_ =	strace s5  }
0x95: {  	s5 =	sld [smem:$0x3FFC];
	_ =	sdelay $0x3  }
0x96: {  	_ =	strace s5  }
0x97: {  	s5 =	sld [smem:$0x3FFD];
	_ =	sdelay $0x3  }
0x98: {  	_ =	strace s5  }
0x99: {  	_ =	strace $0x8FFFFFFF  }
0x9a: {  	s20 =	sld [smem:$0x3FDB];
	_ =	sdelay $0x1  }
0x9b: {  	s6 =	simm.s32 $_scs_section_size  }
0x9c: {  	s7 =	simm.s32 $_size__tile_overlayer_lowered;
	s8 =	simm.s32 $_tile_overlayer_lowered  }
0x9d: {  	s23 =	simm.s32 $0x1BFF;
	s22 =	sshll.u32 s8, $0x1;
	s5 =	sadd.s32 s6, s20  }
0x9e: {  	s9 =	simm.s32 $0x0;
	s21 =	sshll.u32 s7, $0x1;
	s7 =	sadd.s32 s22, s5  }
0x9f: {  	[timem:s9], [sflag:s23] =	dma.local [hbm:s7], s21  }
0xa0: {  	_ =	swait.ge [sflag:s23], s21  }
0xa1: {  	s6 =	ssub.s32 $0x0, s21;
	[sflag:s23] =	ssyncset.done $0x0  }
0xa2: {  	[sflag:s23] =	ssyncadd.s32 s6;
	_ =	sdelay $0x1  }
0xa3: {  	s24 =	simm.s32 $0x1B8B  }
0xa4: {  	_ =	swait.ge [sflag:s24], $0x1  }
0xa5: {  	[sflag:s24] =	ssyncset.done $0x0  }
0xa6: {  	s25 =	simm.s32 $0x1B8E;
	[sflag:s24] =	ssyncadd.s32 $0xFFFFFFFF  }
0xa7: {  	s26 =	simm.s32 $execute0_lowered;
	[smem:$0x3FD2] =	sst s25  }
0xa8: {  	s6 =	sshll.u32 s26, $0x1;
	_ =	strace $0x80000046;
	[dreg:$0x1] =	wrdreg $0xFFFFFFFF  }
0xa9: {  	s28 =	simm.s32 $_size_execute0_lowered;
	s5 =	sadd.s32 s5, s6;
	[dreg:$0x0] =	wrdreg $0x0  }
0xaa: {  	s6 =	sshll.u32 s28, $0x1;
	[dreg:$0x2] =	wrdreg s5  }
0xab: {  	[dreg:$0x3] =	wrdreg s6  }
0xac: {  	[dreg:$0x4] =	wrdreg $0xC0  }
0xad: {  	_ =	task [dreg:s9], $0x5FFFF  }
0xae: {  	[dreg:$0x1] =	wrdreg $0xFFFFFFFF  }
0xaf: {  	[dreg:$0x0] =	wrdreg $0x60  }
0xb0: {  	[dreg:$0x2] =	wrdreg s2  }
0xb1: {  	[dreg:$0x3] =	wrdreg s19  }
0xb2: {  	[dreg:$0x4] =	wrdreg s4  }
0xb3: {  	[dreg:$0x5] =	wrdreg $0x9  }
0xb4: {  	_ =	task.clear_ibuf [dreg:s9], $0x6FFFF;
	_ =	strace $0x90000046  }
0xb5: {  	s29 =	simm.s32 $0x9;
	_ =	strace $0x80000048  }
0xb6: {  	_ =	swait.ge [sflag:s29], $0x1  }
0xb7: {  	[sflag:s29] =	ssyncadd.s32 $0xFFFFFFFF  }
0xb8: {  	_ =	strace $0x90000048  }
0xb9: {  	_ =	sfence  }
0xba: {  	s30 =	sld [smem:$0x0];
	_ =	sdelay $0x2  }
0xbb: {  	s31 =	sshll.u32 s1, $0xD;
	s1 =	sshrl.u32 s1, $0x2  }
0xbc: {  	s3 =	sand.u32 $0x4000, s31;
	s1 =	sadd.s32 s1, s30  }
0xbd: {  	s0 =	sor.u32 s3, s0;
	s1 =	sshll.u32 s1, $0x11  }
0xbe: {  	s0 =	sor.u32 s1, s0  }
0xbf: {  	s0 =	sadd.s32 $0x8F2B, s0  }
0xc0: {  	[sflag:s0] =	ssyncadd.remote.s32 $0x1  }
0xc1: {  	_ =	sfence.sel $0xFFFF  }
0xc2: {  	[dreg:$0x0] =	wrdreg $0xFFFFFFFF;
	(pc) =	sbr.abs _section_cstart, $3  }
0xc3: {  	[dreg:$0x1] =	wrdreg $0xFFFFFFFF  }
0xc4: {  	_ =	task.clear_ibuf [dreg:s9], $0x2FFFF;
	_ =	strace $0x9FFFFFFF  }
0xc5: {  	(tm) =	ssettm $0x7FFFFFFF  }
tec
execute0_lowered:
.L_overlay_start_1:
0x0: {  	(tag) =	ssettag $0x1  }
0x1: {  	s1 =	rddreg [dreg:$0x0]  }
0x2: {  	s6 =	rddreg [dreg:$0x1]  }
0x3: {  	s3 =	rddreg [dreg:$0x2];
	s4 =	srdreg.scid  }
0x4: {  	s0 =	rddreg [dreg:$0x3];
	s2 =	stileid.u32;
	s16 =	simm.s32 $0x5  }
0x5: {  	s17 =	simm.s32 $0x10000;
	s18 =	simm.s32 $0x1;
	s19 =	simm.s32 $0x14000  }
0x6: {  	s20 =	simm.s32 $0x2;
	s21 =	simm.s32 $0x3;
	s22 =	simm.s32 $0x4  }
0x7: {  	s23 =	simm.s32 $0x0;
	s5 =	sand.u32 $0x1, s4;
	s4 =	simm.s32 $0x0  }
0x8: {  	s7 =	sshll.u32 s2, $0x7;
	s8 =	sshll.u32 s5, $0x6;
	s9 =	ssub.s32 $0x2, s5  }
0x9: {  	[smem:$0x7FF] =	sst s4;
	s5 =	sor.u32 s8, s7;
	s30 =	sshrl.u32 s9, $0x1  }
0xa: {  	_ =	strace $0x80000047;
	s12 =	sshll.u32 s5, $0x7;
	s31 =	ssub.s32 s9, s30  }
0xb: {  	s6 =	sadd.s32 s6, s12;
	s13 =	sor.u32 $0x800, s12;
	s7 =	sadd.s32 s1, s12  }
0xc: {  	s8 =	smax.u32 s31, $0x1;
	s10 =	sadd.s32 s3, s12;
	s15 =	sor.u32 $0xC1800, s12  }
0xd: {  	s9 =	sadd.s32 s1, s13;
	s11 =	sadd.s32 $0x1000, s7;
	s12 =	sadd.s32 s3, s13  }
0xe: {  	s13 =	sadd.s32 s1, s15;
	s14 =	sadd.s32 $0xC1000, s10;
	s15 =	sadd.s32 s3, s15  }
.LBB2_1:
0xf: {  	[tilespmem:s4], [sflag:$0x5] =	stream.linear.gather [hbm4b:s6+s4], $0x10000, $0x38;
	[tilespmem:$0x18000] =	vst v63  }
0x10: {  	_ =	swait.ge [sflag:s16], $0x10000  }
0x11: {  	[sflag:s16] =	ssyncset.done $0x0  }
0x12: {  	[sflag:s16] =	ssyncadd.s32 $0xFFFF0000  }
0x13: {  	[tilespmem:s17], [sflag:$0x1] =	stream.linear.gather [hbm4b:s7+s4], $0x4000, $0x38;
	[tilespmem:$0x18000] =	vst v63  }
0x14: {  	_ =	swait.ge [sflag:s18], $0x4000  }
0x15: {  	[sflag:s18] =	ssyncset.done $0x0  }
0x16: {  	[sflag:s18] =	ssyncadd.s32 $0xFFFFC000  }
0x17: {  	[tilespmem:s19], [sflag:$0x2] =	stream.linear.gather [hbm4b:s9+s4], $0x4000, $0x38;
	[tilespmem:$0x18000] =	vst v63  }
0x18: {  	_ = 	snop  }
0x19: {  	[hbm4b:s10+s4] =	stream.linear.scatter [tilespmem:s17], [sflag:$0x3], $0x4000, $0x38;
	[tilespmem:$0x18000] =	vst v63  }
0x1a: {  	_ =	swait.ge [sflag:s20], $0x4000  }
0x1b: {  	[sflag:s20] =	ssyncset.done $0x0  }
0x1c: {  	[sflag:s20] =	ssyncadd.s32 $0xFFFFC000  }
0x1d: {  	_ =	swait.ge [sflag:s21], $0x4000  }
0x1e: {  	[sflag:s21] =	ssyncset.done $0x0  }
0x1f: {  	[sflag:s21] =	ssyncadd.s32 $0xFFFFC000  }
0x20: {  	[tilespmem:s17], [sflag:$0x1] =	stream.linear.gather [hbm4b:s11+s4], $0x4000, $0x38;
	[tilespmem:$0x18000] =	vst v63  }
0x21: {  	s24 =	simm.s32 $0x20  }
0x22: {  	[hbm4b:s12+s4] =	stream.linear.scatter [tilespmem:s19], [sflag:$0x4], $0x4000, $0x38;
	[tilespmem:$0x18000] =	vst v63  }
0x23: {  	s25 =	simm.s32 $0x400;
	s24 =	sand.u32 $0x20, s24;
	_ =	swait.ge [sflag:s18], $0x4000  }
0x24: {  	s25 =	sand.u32 $0x1800, s25;
	s26 =	sor.u32 s24, s5;
	[sflag:s18] =	ssyncset.done $0x0  }
0x25: {  	s26 =	sor.u32 s25, s26;
	[sflag:s18] =	ssyncadd.s32 $0xFFFFC000  }
0x26: {  	s24 =	sor.u32 s24, s25;
	s28 =	sshll.u32 s26, $0x7;
	_ =	swait.ge [sflag:s22], $0x4000  }
0x27: {  	s24 =	sor.u32 s5, s24;
	s25 =	sor.u32 $0x800, s28;
	[sflag:s22] =	ssyncset.done $0x0  }
0x28: {  	s24 =	sshll.u32 s24, $0x7;
	s29 =	sadd.s32 s1, s25;
	[sflag:s22] =	ssyncadd.s32 $0xFFFFC000  }
0x29: {  	[tilespmem:s19], [sflag:$0x2] =	stream.linear.gather [hbm4b:s29+s4], $0x4000, $0x38;
	[tilespmem:$0x18000] =	vst v63  }
0x2a: {  	s24 =	sadd.s32 s3, s24  }
0x2b: {  	[hbm4b:s24+s4] =	stream.linear.scatter [tilespmem:s17], [sflag:$0x3], $0x4000, $0x38;
	[tilespmem:$0x18000] =	vst v63  }
0x2c: {  	s30 =	simm.s32 $0x800;
	s31 =	simm.s32 $0x40;
	_ =	swait.ge [sflag:s20], $0x4000  }
0x2d: {  	s26 =	sand.u32 $0x20, s31;
	s24 =	sand.u32 $0x3800, s30;
	[sflag:s20] =	ssyncset.done $0x0  }
0x2e: {  	s24 =	sor.u32 s26, s24;
	[sflag:s20] =	ssyncadd.s32 $0xFFFFC000  }
0x2f: {  	s24 =	sor.u32 s5, s24;
	_ =	swait.ge [sflag:s21], $0x4000  }
0x30: {  	s24 =	sshll.u32 s24, $0x7;
	[sflag:s21] =	ssyncset.done $0x0  }
0x31: {  	s24 =	sadd.s32 s1, s24;
	[sflag:s21] =	ssyncadd.s32 $0xFFFFC000  }
0x32: {  	[tilespmem:s17], [sflag:$0x1] =	stream.linear.gather [hbm4b:s24+s4], $0x4000, $0x38;
	[tilespmem:$0x18000] =	vst v63  }
0x33: {  	s26 =	sadd.s32 s3, s25;
	s25 =	simm.s32 $0x60;
	s24 =	simm.s32 $0xC00  }
.LBB2_2:
0x34: {  	[hbm4b:s26+s4] =	stream.linear.scatter [tilespmem:s19], [sflag:$0x4], $0x4000, $0x38;
	[tilespmem:$0x18000] =	vst v63  }
0x35: {  	s26 =	smov.u32 s24  }
0x36: {  	s28 =	sadd.s32 $0xFFFFFFE0, s25;
	p0 =	sne.s32 s24, $0x1C00;
	_ =	swait.ge [sflag:s18], $0x4000  }
0x37: {  	s29 =	sadd.s32 $0xFFFFFC00, s24;
	s28 =	sand.u32 $0x20, s28;
	[sflag:s18] =	ssyncset.done $0x0  }
0x38: {  	s29 =	sand.u32 $0x1800, s29;
	s30 =	sor.u32 s28, s5;
	[sflag:s18] =	ssyncadd.s32 $0xFFFFC000  }
0x39: {  	s24 =	sadd.s32 $0x400, s24;
	s28 =	sor.u32 s28, s29;
	s30 =	sor.u32 s29, s30  }
0x3a: {  	s28 =	sor.u32 s5, s28;
	s29 =	sshll.u32 s30, $0x7;
	_ =	swait.ge [sflag:s22], $0x4000  }
0x3b: {  	s28 =	sshll.u32 s28, $0x7;
	s29 =	sor.u32 $0x800, s29;
	[sflag:s22] =	ssyncset.done $0x0  }
0x3c: {  	s30 =	sadd.s32 s1, s29;
	[sflag:s22] =	ssyncadd.s32 $0xFFFFC000  }
0x3d: {  	[tilespmem:s19], [sflag:$0x2] =	stream.linear.gather [hbm4b:s30+s4], $0x4000, $0x38;
	[tilespmem:$0x18000] =	vst v63  }
0x3e: {  	s28 =	sadd.s32 s3, s28  }
0x3f: {  	[hbm4b:s28+s4] =	stream.linear.scatter [tilespmem:s17], [sflag:$0x3], $0x4000, $0x38;
	[tilespmem:$0x18000] =	vst v63  }
0x40: {  	_ =	swait.ge [sflag:s20], $0x4000  }
0x41: {  	s26 =	sand.u32 $0x3800, s26;
	s28 =	sand.u32 $0x20, s25;
	[sflag:s20] =	ssyncset.done $0x0  }
0x42: {  	s26 =	sor.u32 s28, s26;
	[sflag:s20] =	ssyncadd.s32 $0xFFFFC000  }
.Ltmp0:
0x43: {  	s26 =	sor.u32 s5, s26;
	_ =	swait.ge [sflag:s21], $0x4000;
	(pc) =	sbr.rel @p0 .LBB2_2-.Ltmp0, $4  }
0x44: {  	s26 =	sshll.u32 s26, $0x7;
	[sflag:s21] =	ssyncset.done $0x0  }
0x45: {  	s26 =	sadd.s32 s1, s26;
	[sflag:s21] =	ssyncadd.s32 $0xFFFFC000  }
0x46: {  	[tilespmem:s17], [sflag:$0x1] =	stream.linear.gather [hbm4b:s26+s4], $0x4000, $0x38;
	[tilespmem:$0x18000] =	vst v63  }
0x47: {  	s25 =	sadd.s32 $0x20, s25;
	s26 =	sadd.s32 s3, s29  }
0x48: {  	[hbm4b:s26+s4] =	stream.linear.scatter [tilespmem:s19], [sflag:$0x4], $0x4000, $0x38;
	[tilespmem:$0x18000] =	vst v63  }
0x49: {  	_ =	swait.ge [sflag:s18], $0x4000  }
0x4a: {  	[sflag:s18] =	ssyncset.done $0x0  }
0x4b: {  	[sflag:s18] =	ssyncadd.s32 $0xFFFFC000  }
0x4c: {  	_ =	swait.ge [sflag:s22], $0x4000  }
0x4d: {  	[sflag:s22] =	ssyncset.done $0x0  }
0x4e: {  	[sflag:s22] =	ssyncadd.s32 $0xFFFFC000  }
0x4f: {  	[tilespmem:s19], [sflag:$0x2] =	stream.linear.gather [hbm4b:s13+s4], $0x4000, $0x38;
	[tilespmem:$0x18000] =	vst v63  }
0x50: {  	_ = 	snop  }
0x51: {  	[hbm4b:s14+s4] =	stream.linear.scatter [tilespmem:s17], [sflag:$0x3], $0x4000, $0x38;
	[tilespmem:$0x18000] =	vst v63  }
0x52: {  	_ =	swait.ge [sflag:s20], $0x4000  }
0x53: {  	[sflag:s20] =	ssyncset.done $0x0  }
0x54: {  	s23 =	sadd.s32 $0x1, s23;
	[sflag:s20] =	ssyncadd.s32 $0xFFFFC000  }
0x55: {  	[hbm4b:s15+s4] =	stream.linear.scatter [tilespmem:s19], [sflag:$0x4], $0x4000, $0x38;
	[tilespmem:$0x18000] =	vst v63  }
0x56: {  	p0 =	sne.s32 s23, s8;
	_ =	swait.ge [sflag:s21], $0x4000  }
.Ltmp1:
0x57: {  	[sflag:s21] =	ssyncset.done $0x0;
	(pc) =	sbr.rel @p0 .LBB2_1-.Ltmp1, $4  }
0x58: {  	[sflag:s21] =	ssyncadd.s32 $0xFFFFC000  }
0x59: {  	_ =	swait.ge [sflag:s22], $0x4000  }
0x5a: {  	[sflag:s22] =	ssyncset.done $0x0  }
0x5b: {  	[sflag:s22] =	ssyncadd.s32 $0xFFFFC000  }
0x5c: {  	_ =	sfence.sel $0x180000  }
0x5d: {  	[bflag:$0x0] =	sbarrier.arrive $0xFFFF  }
0x5e: {  	p0 =	sne.s32 s2, $0x0;
	_ =	strace $0x90000047  }
0x5f: {  	s0 =	sadd.s32 @!p0 $0x100000, s0;
	[bflag:$0x2] =	sbarrier.arrive $0xFFFF  }
0x60: {  	[sflag:s0] =	ssyncadd.tile.s32 @!p0 $0x1;
	_ =	shalt  }
.Lfunc_end2:
_tile_overlayer_lowered:
.L_overlay_start_2:
0x61: {  	(tag) =	ssettag $0x2  }
0x62: {  	s0 =	rddreg [dreg:$0x0];
	s2 =	stileid.u32  }
0x63: {  	s1 =	rddreg [dreg:$0x1];
	p0 =	sne.s32 s2, $0x0  }
0x64: {  	s3 =	rddreg [dreg:$0x2];
	[bflag:$0x3] =	sbarrier.arrive $0xFFFF;
	s2 =	simm.s32 @!p0 $0x1C05  }
0x65: {  	[timem:s3], [sflag:s2] =	dma.local @!p0 [hbm:s0], s1  }
0x66: {  	s0 =	simm.s32 @!p0 $0x5  }
0x67: {  	_ =	swait.ge @!p0 [sflag:s0], s1  }
0x68: {  	s1 =	ssub.s32 @!p0 $0x0, s1;
	[sflag:s0] =	ssyncset.done @!p0 $0x0  }
0x69: {  	[sflag:s0] =	ssyncadd.s32 @!p0 s1  }
0x6a: {  	[bflag:$0x3] =	sbarrier.arrive $0xFFFF  }
0x6b: {  	_ =	shalt  }

</sc_bundles>
